<compile_context>
chip_gen: v7x
topology: tpu7x:2x2x1
jax: 0.10.2.dev20260603
libtpu: 0.0.44.dev20260713+nightly
codegen_flags: <defaults>
</compile_context>

<pallas_src>
import functools

import jax
import jax.numpy as jnp
from jax import lax
from jax.experimental import pallas as pl
from jax.experimental.pallas import tpu as pltpu
from jax.experimental.pallas import tpu_sc as plsc

_NUM_TABLES = 26
_VOCAB = 100000
_EMB = 32
_BATCH = 4096
_NCOL = _NUM_TABLES + 1
_NW = 32
_CHUNK = _BATCH // _NW
_ROWS_PER_W = _CHUNK * _NCOL
_LANES = 16


def _sc_gather(x_t, tables):
    mesh = plsc.VectorSubcoreMesh(core_axis_name="c", subcore_axis_name="s")

    @functools.partial(
        pl.kernel,
        mesh=mesh,
        out_type=jax.ShapeDtypeStruct((_BATCH * _NCOL, _EMB), jnp.float32),
        compiler_params=pltpu.CompilerParams(use_tc_tiling_on_sc=False),
        scratch_types=[
            pltpu.VMEM((_NCOL, _CHUNK), jnp.int32),
            pltpu.VMEM((_NCOL, _CHUNK), jnp.int32),
            pltpu.VMEM((_ROWS_PER_W, _EMB), jnp.float32),
            pltpu.SemaphoreType.DMA,
            pltpu.SemaphoreType.DMA,
            pltpu.SemaphoreType.DMA,
        ],
    )
    def k(x_hbm, tab_hbm, out_hbm, idx_v, oidx_v, rows_v, isem, gsem, ssem):
        wid = lax.axis_index("s") * 2 + lax.axis_index("c")
        b0 = wid * _CHUNK

        pltpu.async_copy(x_hbm.at[:, pl.ds(b0, _CHUNK)], idx_v, isem)

        def orow(j, carry):
            row = oidx_v.at[j]

            def ovec(v, c2):
                i = v * _LANES + lax.iota(jnp.int32, _LANES)
                row[pl.ds(v * _LANES, _LANES)] = (b0 + i) * _NCOL + j
                return c2

            return lax.fori_loop(0, _CHUNK // _LANES, ovec, carry)

        lax.fori_loop(0, _NCOL, orow, 0)

        pltpu.make_async_copy(
            x_hbm.at[:, pl.ds(b0, _CHUNK)], idx_v, isem).wait()

        def fire_g(j, carry):
            t = jnp.maximum(j - 1, 0)
            pltpu.async_copy(
                tab_hbm.at[t].at[idx_v.at[j]],
                rows_v.at[pl.ds(j * _CHUNK, _CHUNK)],
                gsem,
            )
            return carry

        lax.fori_loop(0, _NCOL, fire_g, 0)

        pltpu.make_async_copy(
            tab_hbm.at[0].at[pl.ds(0, _ROWS_PER_W)], rows_v, gsem).wait()

        def fire_s(j, carry):
            pltpu.async_copy(
                rows_v.at[pl.ds(j * _CHUNK, _CHUNK)],
                out_hbm.at[oidx_v.at[j]],
                ssem,
            )
            return carry

        lax.fori_loop(0, _NCOL, fire_s, 0)

        pltpu.make_async_copy(
            rows_v, out_hbm.at[pl.ds(wid * _ROWS_PER_W, _ROWS_PER_W)],
            ssem).wait()

    return k(x_t, tables)


def kernel(x, tables):
    x_t = x.astype(jnp.int32).T
    out = _sc_gather(x_t, tables)
    return out.reshape(_BATCH, _NCOL * _EMB)

# --- scband reference (transcript-rebuilt; emitter-appended) ---
"""Pipeline reference for scband-concatenated-embeddings-39384850105033 (READ-ONLY COPY).

The authoritative reference and input builder live on the scoring server;
editing this copy changes nothing except your own understanding.
"""

import jax, jax.numpy as jnp
import numpy as np

NUM_TABLES = 26
VOCAB = 100000
EMB = 32
BATCH = 4096

def setup_inputs(seed: int = 0) -> dict:
    key = jax.random.key(seed)
    k_x, k_t = jax.random.split(key)
    # Note: the original forward uses embedding_layers[0] on column 0, then every
    # layer i on column i+1, so x needs NUM_TABLES + 1 = 27 columns.
    x = jax.random.randint(k_x, (BATCH, NUM_TABLES + 1), 0, VOCAB, dtype=jnp.int64)
    tables = jax.random.normal(k_t, (NUM_TABLES, VOCAB, EMB), dtype=jnp.float32)
    return {"x": x, "tables": tables}

def reference(x, tables):
    # Faithful translation, including the duplicated use of table 0:
    # out = cat([emb0(x[:,0]), emb0(x[:,1]), emb1(x[:,2]), ..., emb25(x[:,26])], dim=1)
    if x.ndim == 1:
        x = x[None, :]
    cols = [jnp.take(tables[0], x[:, 0], axis=0)]
    for i in range(NUM_TABLES):
        cols.append(jnp.take(tables[i], x[:, i + 1], axis=0))
    out = jnp.concatenate(cols, axis=1)
    # dropout p=0.0 -> identity
    return out

if __name__ == "__main__":
    import jax
    _d = setup_inputs()
    print(jax.jit(kernel)(*tuple(_d.values())))

</pallas_src>

<mosaic_0001>
#map = affine_map<(d0, d1) -> (0, 0)>
#map1 = affine_map<(d0, d1) -> (0, 0, 0)>
module attributes {stable_mosaic.version = 14 : i64} {
  func.func @k(%arg0: i32, %arg1: i32, %arg2: memref<27x4096xi32, #tpu.memory_space<hbm>>, %arg3: memref<26x100000x32xf32, #tpu.memory_space<hbm>>, %arg4: memref<110592x32xf32, #tpu.memory_space<hbm>>, %arg5: memref<27x128xi32, #tpu.memory_space<vmem>>, %arg6: memref<27x128xi32, #tpu.memory_space<vmem>>, %arg7: memref<3456x32xf32, #tpu.memory_space<vmem>>, %arg8: memref<!tpu.dma_semaphore, #tpu.memory_space<semaphore_mem>>, %arg9: memref<!tpu.dma_semaphore, #tpu.memory_space<semaphore_mem>>, %arg10: memref<!tpu.dma_semaphore, #tpu.memory_space<semaphore_mem>>) attributes {dimension_semantics = [#tpu.dimension_semantics<core_parallel>, #tpu.dimension_semantics<subcore_parallel>], iteration_bounds = array<i64: 2, 16>, scalar_prefetch = 0 : i64, scratch_operands = 6 : i64, tpu.core_type = #tpu.core_type<sc_vector_subcore>, window_params = [{transform_indices = #map}, {transform_indices = #map1}, {transform_indices = #map}]} {
    %mul3A = arith.constant 2 : i32
    %mul3A_0 = arith.muli %arg1, %mul3A : i32
    %add3A = arith.addi %mul3A_0, %arg0 : i32
    %mul3A_1 = arith.constant 128 : i32
    %mul3A_2 = arith.muli %add3A, %mul3A_1 : i32
    %dma_start3A = arith.constant 0 : i32
    %dma_start3A_3 = tpu.memref_slice %arg2[%dma_start3A, %mul3A_2] : memref<27x4096xi32, #tpu.memory_space<hbm>> -> memref<27x128xi32, #tpu.memory_space<hbm>>
    %dma_start3A_4 = arith.constant 0 : i32
    %dma_start3A_5 = tpu.memref_slice %arg2[%dma_start3A_4, %mul3A_2] : memref<27x4096xi32, #tpu.memory_space<hbm>> -> memref<27x128xi32, #tpu.memory_space<hbm>>
    tpu.enqueue_dma source(%dma_start3A_5 : memref<27x128xi32, #tpu.memory_space<hbm>>) target(%arg5 : memref<27x128xi32, #tpu.memory_space<vmem>>) target_semaphore(%arg8 : memref<!tpu.dma_semaphore, #tpu.memory_space<semaphore_mem>>)
    %scan3A = arith.constant 0 : i32
    %scan3A_6 = arith.constant 0 : i32
    %scan3A_7 = arith.constant 27 : i32
    %scan3A_8 = arith.addi %scan3A_6, %scan3A_7 : i32
    %scan3A_9 = arith.constant 1 : i32
    scf.for %scan3A_47 = %scan3A_6 to %scan3A_8 step %scan3A_9  : i32 {
      %scan3A_48 = arith.constant 0 : i32
      %scan3A_49 = arith.constant 8 : i32
      %scan3A_50 = arith.addi %scan3A_48, %scan3A_49 : i32
      %scan3A_51 = arith.constant 1 : i32
      scf.for %scan3A_53 = %scan3A_48 to %scan3A_50 step %scan3A_51  : i32 {
        %mul3A_54 = arith.constant 16 : i32
        %mul3A_55 = arith.muli %scan3A_53, %mul3A_54 : i32
        %iota3A = tpu.iota {dimensions = array<i32: 0>} : vector<16xi32>
        %add3A_56 = vector.broadcast %mul3A_55 : i32 to vector<16xi32>
        %add3A_57 = arith.addi %add3A_56, %iota3A : vector<16xi32>
        %add3A_58 = vector.broadcast %mul3A_2 : i32 to vector<16xi32>
        %add3A_59 = arith.addi %add3A_58, %add3A_57 : vector<16xi32>
        %mul3A_60 = arith.constant 27 : i32
        %mul3A_61 = vector.broadcast %mul3A_60 : i32 to vector<16xi32>
        %mul3A_62 = arith.muli %add3A_59, %mul3A_61 : vector<16xi32>
        %add3A_63 = vector.broadcast %scan3A_47 : i32 to vector<16xi32>
        %add3A_64 = arith.addi %mul3A_62, %add3A_63 : vector<16xi32>
        %mul3A_65 = arith.constant 16 : i32
        %mul3A_66 = arith.muli %scan3A_53, %mul3A_65 : i32
        %swap3A = arith.constant 0 : i32
        %swap3A_67 = tpu.memref_slice %arg6[%scan3A_47, %swap3A] : memref<27x128xi32, #tpu.memory_space<vmem>> -> memref<1x128xi32, #tpu.memory_space<vmem>>
        %swap3A_68 = tpu.memref_squeeze %swap3A_67 : memref<1x128xi32, #tpu.memory_space<vmem>> -> memref<128xi32, #tpu.memory_space<vmem>>
        %swap3A_69 = arith.index_cast %mul3A_66 : i32 to index
        %swap3A_70 = tpu.vector_load %swap3A_68[%swap3A_69] {strides = array<i32>} : memref<128xi32, #tpu.memory_space<vmem>>, vector<16xi32>,
        %swap3A_71 = vector.shape_cast %swap3A_70 : vector<16xi32> to vector<16xi32>
        %swap3A_72 = vector.shape_cast %add3A_64 : vector<16xi32> to vector<16xi32>
        tpu.vector_store %swap3A_68[%swap3A_69], %swap3A_72 {strides = array<i32>} : memref<128xi32, #tpu.memory_space<vmem>>, vector<16xi32>,
      }
      %scan3A_52 = arith.constant 8 : i32
    }
    %scan3A_10 = arith.constant 27 : i32
    %dma_wait3A = arith.constant 0 : i32
    %dma_wait3A_11 = tpu.memref_slice %arg2[%dma_wait3A, %mul3A_2] : memref<27x4096xi32, #tpu.memory_space<hbm>> -> memref<27x128xi32, #tpu.memory_space<hbm>>
    %dma_wait3A_12 = arith.constant 0 : i32
    %dma_wait3A_13 = tpu.memref_slice %arg2[%dma_wait3A_12, %mul3A_2] : memref<27x4096xi32, #tpu.memory_space<hbm>> -> memref<27x128xi32, #tpu.memory_space<hbm>>
    tpu.wait_dma2 semaphore(%arg8 : memref<!tpu.dma_semaphore, #tpu.memory_space<semaphore_mem>>) src(%dma_wait3A_13 : memref<27x128xi32, #tpu.memory_space<hbm>>) dst(%arg5 : memref<27x128xi32, #tpu.memory_space<vmem>>)
    %scan3A_14 = arith.constant 0 : i32
    %scan3A_15 = arith.constant 0 : i32
    %scan3A_16 = arith.constant 27 : i32
    %scan3A_17 = arith.addi %scan3A_15, %scan3A_16 : i32
    %scan3A_18 = arith.constant 1 : i32
    scf.for %scan3A_47 = %scan3A_15 to %scan3A_17 step %scan3A_18  : i32 {
      %sub3A = arith.constant 1 : i32
      %sub3A_48 = arith.subi %scan3A_47, %sub3A : i32
      %max3A = arith.constant 0 : i32
      %max3A_49 = arith.maxsi %sub3A_48, %max3A : i32
      %mul3A_50 = arith.constant 128 : i32
      %mul3A_51 = arith.muli %scan3A_47, %mul3A_50 : i32
      %dma_start3A_52 = arith.constant 0 : i32
      %dma_start3A_53 = tpu.memref_slice %arg7[%mul3A_51, %dma_start3A_52] : memref<3456x32xf32, #tpu.memory_space<vmem>> -> memref<128x32xf32, #tpu.memory_space<vmem>>
      %dma_start3A_54 = arith.constant 0 : i32
      %dma_start3A_55 = tpu.memref_slice %arg5[%scan3A_47, %dma_start3A_54] : memref<27x128xi32, #tpu.memory_space<vmem>> -> memref<1x128xi32, #tpu.memory_space<vmem>>
      %dma_start3A_56 = tpu.memref_squeeze %dma_start3A_55 : memref<1x128xi32, #tpu.memory_space<vmem>> -> memref<128xi32, #tpu.memory_space<vmem>>
      %dma_start3A_57 = arith.constant 0 : i32
      %dma_start3A_58 = arith.constant 0 : i32
      %dma_start3A_59 = tpu.memref_slice %arg3[%max3A_49, %dma_start3A_57, %dma_start3A_58] : memref<26x100000x32xf32, #tpu.memory_space<hbm>> -> memref<1x100000x32xf32, #tpu.memory_space<hbm>>
      %dma_start3A_60 = tpu.memref_squeeze %dma_start3A_59 : memref<1x100000x32xf32, #tpu.memory_space<hbm>> -> memref<100000x32xf32, #tpu.memory_space<hbm>>
      %dma_start3A_61 = arith.constant 0 : i32
      %dma_start3A_62 = arith.constant 0 : i32
      %dma_start3A_63 = tpu.memref_slice %dma_start3A_60[%dma_start3A_61, %dma_start3A_62] : memref<100000x32xf32, #tpu.memory_space<hbm>> -> memref<100000x32xf32, #tpu.memory_space<hbm>>
      tpu.enqueue_indirect_dma source(%dma_start3A_63 : memref<100000x32xf32, #tpu.memory_space<hbm>>) target(%dma_start3A_53 : memref<128x32xf32, #tpu.memory_space<vmem>>) offsets(%dma_start3A_56 : memref<128xi32, #tpu.memory_space<vmem>>) semaphore(%arg9 : memref<!tpu.dma_semaphore, #tpu.memory_space<semaphore_mem>>)
    }
    %scan3A_19 = arith.constant 27 : i32
    %dma_wait3A_20 = arith.constant 0 : i32
    %dma_wait3A_21 = arith.constant 0 : i32
    %dma_wait3A_22 = arith.constant 0 : i32
    %dma_wait3A_23 = tpu.memref_slice %arg3[%dma_wait3A_20, %dma_wait3A_21, %dma_wait3A_22] : memref<26x100000x32xf32, #tpu.memory_space<hbm>> -> memref<1x100000x32xf32, #tpu.memory_space<hbm>>
    %dma_wait3A_24 = tpu.memref_squeeze %dma_wait3A_23 : memref<1x100000x32xf32, #tpu.memory_space<hbm>> -> memref<100000x32xf32, #tpu.memory_space<hbm>>
    %dma_wait3A_25 = arith.constant 0 : i32
    %dma_wait3A_26 = arith.constant 0 : i32
    %dma_wait3A_27 = tpu.memref_slice %dma_wait3A_24[%dma_wait3A_25, %dma_wait3A_26] : memref<100000x32xf32, #tpu.memory_space<hbm>> -> memref<3456x32xf32, #tpu.memory_space<hbm>>
    %dma_wait3A_28 = arith.constant 0 : i32
    %dma_wait3A_29 = arith.constant 0 : i32
    %dma_wait3A_30 = tpu.memref_slice %arg3[%dma_wait3A_20, %dma_wait3A_28, %dma_wait3A_29] : memref<26x100000x32xf32, #tpu.memory_space<hbm>> -> memref<1x100000x32xf32, #tpu.memory_space<hbm>>
    %dma_wait3A_31 = tpu.memref_squeeze %dma_wait3A_30 : memref<1x100000x32xf32, #tpu.memory_space<hbm>> -> memref<100000x32xf32, #tpu.memory_space<hbm>>
    %dma_wait3A_32 = arith.constant 0 : i32
    %dma_wait3A_33 = arith.constant 0 : i32
    %dma_wait3A_34 = tpu.memref_slice %dma_wait3A_31[%dma_wait3A_32, %dma_wait3A_33] : memref<100000x32xf32, #tpu.memory_space<hbm>> -> memref<3456x32xf32, #tpu.memory_space<hbm>>
    tpu.wait_dma2 semaphore(%arg9 : memref<!tpu.dma_semaphore, #tpu.memory_space<semaphore_mem>>) src(%dma_wait3A_34 : memref<3456x32xf32, #tpu.memory_space<hbm>>) dst(%arg7 : memref<3456x32xf32, #tpu.memory_space<vmem>>)
    %scan3A_35 = arith.constant 0 : i32
    %scan3A_36 = arith.constant 0 : i32
    %scan3A_37 = arith.constant 27 : i32
    %scan3A_38 = arith.addi %scan3A_36, %scan3A_37 : i32
    %scan3A_39 = arith.constant 1 : i32
    scf.for %scan3A_47 = %scan3A_36 to %scan3A_38 step %scan3A_39  : i32 {
      %mul3A_48 = arith.constant 128 : i32
      %mul3A_49 = arith.muli %scan3A_47, %mul3A_48 : i32
      %dma_start3A_50 = arith.constant 0 : i32
      %dma_start3A_51 = tpu.memref_slice %arg7[%mul3A_49, %dma_start3A_50] : memref<3456x32xf32, #tpu.memory_space<vmem>> -> memref<128x32xf32, #tpu.memory_space<vmem>>
      %dma_start3A_52 = arith.constant 0 : i32
      %dma_start3A_53 = tpu.memref_slice %arg6[%scan3A_47, %dma_start3A_52] : memref<27x128xi32, #tpu.memory_space<vmem>> -> memref<1x128xi32, #tpu.memory_space<vmem>>
      %dma_start3A_54 = tpu.memref_squeeze %dma_start3A_53 : memref<1x128xi32, #tpu.memory_space<vmem>> -> memref<128xi32, #tpu.memory_space<vmem>>
      %dma_start3A_55 = arith.constant 0 : i32
      %dma_start3A_56 = arith.constant 0 : i32
      %dma_start3A_57 = tpu.memref_slice %arg4[%dma_start3A_55, %dma_start3A_56] : memref<110592x32xf32, #tpu.memory_space<hbm>> -> memref<110592x32xf32, #tpu.memory_space<hbm>>
      tpu.enqueue_indirect_dma source(%dma_start3A_51 : memref<128x32xf32, #tpu.memory_space<vmem>>) target(%dma_start3A_57 : memref<110592x32xf32, #tpu.memory_space<hbm>>) offsets(%dma_start3A_54 : memref<128xi32, #tpu.memory_space<vmem>>) semaphore(%arg10 : memref<!tpu.dma_semaphore, #tpu.memory_space<semaphore_mem>>)
    }
    %scan3A_40 = arith.constant 27 : i32
    %mul3A_41 = arith.constant 3456 : i32
    %mul3A_42 = arith.muli %add3A, %mul3A_41 : i32
    %dma_wait3A_43 = arith.constant 0 : i32
    %dma_wait3A_44 = tpu.memref_slice %arg4[%mul3A_42, %dma_wait3A_43] : memref<110592x32xf32, #tpu.memory_space<hbm>> -> memref<3456x32xf32, #tpu.memory_space<hbm>>
    %dma_wait3A_45 = arith.constant 0 : i32
    %dma_wait3A_46 = tpu.memref_slice %arg4[%mul3A_42, %dma_wait3A_45] : memref<110592x32xf32, #tpu.memory_space<hbm>> -> memref<3456x32xf32, #tpu.memory_space<hbm>>
    tpu.wait_dma2 semaphore(%arg10 : memref<!tpu.dma_semaphore, #tpu.memory_space<semaphore_mem>>) src(%arg7 : memref<3456x32xf32, #tpu.memory_space<vmem>>) dst(%dma_wait3A_46 : memref<3456x32xf32, #tpu.memory_space<hbm>>)
    return
  }
}

</mosaic_0001>

<sc_bundles>
// kernel: kernel.3.cloned.1.call-start
scs
__scs_entry_jumppad:
0x0: {  	(pc) =	sbr.rel $0x88, $3  }
0x1: {  	(tag) =	ssettag $0x0;
	lr =	simm.s32 $0x1  }
0x2: {  	[smem:$0x3F9F] =	sst lr;
	_ =	strace $0xD0000000  }
0x3: {  	_ = 	snop  }
0x4: {  	_ = 	snop  }
0x5: {  	_ = 	snop  }
0x6: {  	_ = 	snop  }
0x7: {  	_ = 	snop  }
__scs_overlays_trampoline_lowered:
0x8: {  	[smem:$0x3FAE] =	sst s0  }
0x9: {  	[smem:$0x3FAF] =	sst s1  }
0xa: {  	[smem:$0x3FB0] =	sst s2  }
0xb: {  	[smem:$0x3FB1] =	sst s3  }
0xc: {  	[smem:$0x3FB2] =	sst s4  }
0xd: {  	[smem:$0x3FB3] =	sst s5  }
0xe: {  	[smem:$0x3FB4] =	sst s6  }
0xf: {  	[smem:$0x3FB5] =	sst s7  }
0x10: {  	[smem:$0x3FB6] =	sst s8  }
0x11: {  	[smem:$0x3FB7] =	sst s9;
	s0 =	simm.s32 @!p0 $0x0  }
0x12: {  	s1 =	sld [smem:$0x3F9D];
	s0 =	simm.s32 @p0 $0x1  }
0x13: {  	[smem:$0x3FB8] =	sst s0;
	s0 =	simm.s32 @!p1 $0x0  }
0x14: {  	s2 =	sld [smem:$0x3F9C];
	s0 =	simm.s32 @p1 $0x1  }
0x15: {  	[smem:$0x3FB9] =	sst s0;
	s0 =	simm.s32 @!p2 $0x0  }
0x16: {  	s3 =	sld [smem:$0x3FDB];
	s0 =	simm.s32 @p2 $0x1  }
0x17: {  	s4 =	simm.s32 $0x1BF5;
	[smem:$0x3FBB] =	sst s0  }
0x18: {  	s0 =	sld [smem:$0x3F9E];
	_ =	swait.ge [sflag:s4], $0x0  }
0x19: {  	s7 =	sld [smem:$0x3F9F]  }
0x1a: {  	s8 =	sadd.s32 $0xFFFFE003, lr  }
0x1b: {  	s9 =	sadd.s32 $0xFFFFFEF7, lr;
	s5 =	simm.s32 $0xFFFFFFFF;
	p2 =	slt.u32 s8, $0xFFFFF086  }
0x1c: {  	p1 =	slt.u32 s9, $0xF7A;
	s5 =	simm.s32 @!p2 $0x0  }
0x1d: {  	s5 =	simm.s32 @p1 $0x1;
	p0 =	seq.s32 s7, s2  }
0x1e: {  	s7 =	smul.u32 @!p0 $0xF7A, s2;
	p2 =	seq.s32 @!p0 s5, $0x0  }
0x1f: {  	s9 =	smul.u32 $0xF7A, s1;
	s8 =	simm.s32 @!p0 $0x1BF5;
	p2 =	por !p2, p0  }
0x20: {  	[sflag:s8] =	ssyncset.s32 @!p0 $0xFFFFF086;
	s6 =	sadd.s32 @!p0 s3, s7;
	s7 =	simm.s32 @!p0 $0x108  }
0x21: {  	s3 =	sadd.s32 s3, s9;
	s6 =	sadd.s32 @!p0 $0x88, s6;
	s7 =	simm.s32 @p2 $0x1082  }
0x22: {  	[simem:s7], [sflag:s8] =	dma.local @!p0 [hbm:s6], $0xF7A  }
0x23: {  	s9 =	sor.u32 $0xD0000000, s2;
	s6 =	simm.s32 $0x108;
	_ =	swait.ge @!p0 [sflag:s8], $0x0  }
0x24: {  	s3 =	sadd.s32 $0x88, s3;
	s6 =	simm.s32 @!p1 $0x1082;
	[sflag:s4] =	ssyncset.s32 $0xFFFFF086  }
0x25: {  	[simem:s6], [sflag:s4] =	dma.local [hbm:s3], $0xF7A  }
0x26: {  	[smem:$0x3F9F] =	sst s1;
	(tag) =	ssettag s2;
	_ =	strace s9  }
0x27: {  	s1 =	sld [smem:$0x3FAF]  }
0x28: {  	s2 =	sld [smem:$0x3FB0]  }
0x29: {  	s4 =	sld [smem:$0x3FB2]  }
0x2a: {  	p0 =	seq.s32 s5, $0x0;
	s5 =	sld [smem:$0x3FB3]  }
0x2b: {  	s6 =	sld [smem:$0x3FB4]  }
0x2c: {  	s7 =	sld [smem:$0x3FB5]  }
0x2d: {  	s3 =	simm.s32 $0x108;
	s8 =	sld [smem:$0x3FB6]  }
0x2e: {  	s3 =	simm.s32 @!p0 $0x1082;
	s9 =	sld [smem:$0x3FB7]  }
0x2f: {  	lr =	sadd.s32 s0, s3;
	s0 =	sld [smem:$0x3FAE]  }
0x30: {  	s3 =	sld [smem:$0x3FB1]  }
0x31: {  	[smem:$0x3FBA] =	sst s10  }
0x32: {  	s10 =	sld [smem:$0x3FB8];
	_ =	sdelay $0x3  }
0x33: {  	p0 =	seq.s32 s10, $0x1;
	s10 =	sld [smem:$0x3FBA];
	_ =	sdelay $0x3  }
0x34: {  	[smem:$0x3FBA] =	sst s10  }
0x35: {  	s10 =	sld [smem:$0x3FB9];
	_ =	sdelay $0x3  }
0x36: {  	p1 =	seq.s32 s10, $0x1;
	s10 =	sld [smem:$0x3FBA];
	_ =	sdelay $0x3  }
0x37: {  	[smem:$0x3FBA] =	sst s10  }
0x38: {  	s10 =	sld [smem:$0x3FBB]  }
0x39: {  	_ = 	snop;
	(pc) =	sbr.ind lr, $3  }
0x3a: {  	_ = 	snop  }
0x3b: {  	_ = 	snop  }
0x3c: {  	p2 =	seq.s32 s10, $0x1;
	s10 =	sld [smem:$0x3FBA]  }
0x3d: {  	_ =	shalt  }
0x3e: {  	_ =	shalt  }
0x3f: {  	_ =	shalt  }
0x40: {  	_ =	shalt  }
0x41: {  	_ =	shalt  }
0x42: {  	_ =	shalt  }
0x43: {  	_ =	shalt  }
0x44: {  	_ =	shalt  }
0x45: {  	_ =	shalt  }
0x46: {  	_ =	shalt  }
0x47: {  	_ =	shalt  }
0x48: {  	_ =	shalt  }
0x49: {  	_ =	shalt  }
0x4a: {  	_ =	shalt  }
0x4b: {  	_ =	shalt  }
0x4c: {  	_ =	shalt  }
0x4d: {  	_ =	shalt  }
0x4e: {  	_ =	shalt  }
0x4f: {  	_ =	shalt  }
0x50: {  	_ =	shalt  }
0x51: {  	_ =	shalt  }
0x52: {  	_ =	shalt  }
0x53: {  	_ =	shalt  }
0x54: {  	_ =	shalt  }
0x55: {  	_ =	shalt  }
0x56: {  	_ =	shalt  }
0x57: {  	_ =	shalt  }
0x58: {  	_ =	shalt  }
0x59: {  	_ =	shalt  }
0x5a: {  	_ =	shalt  }
0x5b: {  	_ =	shalt  }
0x5c: {  	_ =	shalt  }
0x5d: {  	_ =	shalt  }
0x5e: {  	_ =	shalt  }
0x5f: {  	_ =	shalt  }
0x60: {  	_ =	shalt  }
0x61: {  	_ =	shalt  }
0x62: {  	_ =	shalt  }
0x63: {  	_ =	shalt  }
0x64: {  	_ =	shalt  }
0x65: {  	_ =	shalt  }
0x66: {  	_ =	shalt  }
0x67: {  	_ =	shalt  }
0x68: {  	_ =	shalt  }
0x69: {  	_ =	shalt  }
0x6a: {  	_ =	shalt  }
0x6b: {  	_ =	shalt  }
0x6c: {  	_ =	shalt  }
0x6d: {  	_ =	shalt  }
0x6e: {  	_ =	shalt  }
0x6f: {  	_ =	shalt  }
0x70: {  	_ =	shalt  }
0x71: {  	_ =	shalt  }
0x72: {  	_ =	shalt  }
0x73: {  	_ =	shalt  }
0x74: {  	_ =	shalt  }
0x75: {  	_ =	shalt  }
0x76: {  	_ =	shalt  }
0x77: {  	_ =	shalt  }
0x78: {  	_ =	shalt  }
0x79: {  	_ =	shalt  }
0x7a: {  	_ =	shalt  }
0x7b: {  	_ =	shalt  }
0x7c: {  	_ =	shalt  }
0x7d: {  	_ =	shalt  }
0x7e: {  	_ =	shalt  }
0x7f: {  	_ =	shalt  }
0x80: {  	_ =	shalt  }
0x81: {  	_ =	shalt  }
0x82: {  	_ =	shalt  }
0x83: {  	_ =	shalt  }
0x84: {  	_ =	shalt  }
0x85: {  	_ =	shalt  }
0x86: {  	_ =	shalt  }
0x87: {  	_ =	shalt  }
.Lfunc_end0:
.L_simem_size_0:
called_computation_lowered:
.L_overlay_start_0:
0x88: {  	s2 =	sld [smem:$0x3FD9]  }
0x89: {  	s3 =	sld [smem:$0x3FFE];
	_ =	sdelay $0x1  }
0x8a: {  	s1 =	srdreg.scid  }
0x8b: {  	s0 =	sand.u32 $0x1, s1  }
0x8c: {  	s17 =	sshll.u32 s0, $0xA;
	s2 =	sadd.s32 s3, s2  }
0x8d: {  	s2 =	sadd.s32 s2, s17  }
0x8e: {  	[smem:$0x3FC6] =	sst s2  }
0x8f: {  	_ = 	snop  }
0x90: {  	s2 =	sld [smem:$0x3FD0];
	(tm) =	ssettm $0x1  }
0x91: {  	s18 =	sld [smem:$0x3FFB];
	_ =	sdelay $0x3  }
0x92: {  	_ =	strace s18  }
0x93: {  	s3 =	sld [smem:$0x3FFC];
	_ =	sdelay $0x3  }
0x94: {  	_ =	strace s3  }
0x95: {  	s3 =	sld [smem:$0x3FFD];
	_ =	sdelay $0x3  }
0x96: {  	_ =	strace s3  }
0x97: {  	_ =	strace $0x8FFFFFFF  }
0x98: {  	s19 =	sld [smem:$0x3FDB];
	_ =	sdelay $0x1  }
0x99: {  	s4 =	simm.s32 $_scs_section_size  }
0x9a: {  	s5 =	simm.s32 $_size__tile_overlayer_lowered;
	s6 =	simm.s32 $_tile_overlayer_lowered  }
0x9b: {  	s22 =	simm.s32 $0x1BFF;
	s21 =	sshll.u32 s6, $0x1;
	s3 =	sadd.s32 s4, s19  }
0x9c: {  	s7 =	simm.s32 $0x0;
	s20 =	sshll.u32 s5, $0x1;
	s5 =	sadd.s32 s21, s3  }
0x9d: {  	[timem:s7], [sflag:s22] =	dma.local [hbm:s5], s20  }
0x9e: {  	_ =	swait.ge [sflag:s22], s20  }
0x9f: {  	s4 =	ssub.s32 $0x0, s20;
	[sflag:s22] =	ssyncset.done $0x0  }
0xa0: {  	[sflag:s22] =	ssyncadd.s32 s4;
	_ =	sdelay $0x1  }
0xa1: {  	s23 =	simm.s32 $0x1B8B  }
0xa2: {  	_ =	swait.ge [sflag:s23], $0x1  }
0xa3: {  	[sflag:s23] =	ssyncset.done $0x0  }
0xa4: {  	s25 =	simm.s32 $0x1B8E;
	s24 =	sld [smem:$0x3FFE];
	[sflag:s23] =	ssyncadd.s32 $0xFFFFFFFF  }
0xa5: {  	s26 =	simm.s32 $execute0_lowered;
	[smem:$0x3FD2] =	sst s25  }
0xa6: {  	s5 =	sshll.u32 s26, $0x1;
	_ =	strace $0x80000046;
	[dreg:$0x1] =	wrdreg $0xFFFFFFFF  }
0xa7: {  	s28 =	simm.s32 $_size_execute0_lowered;
	s3 =	sadd.s32 s3, s5;
	[dreg:$0x0] =	wrdreg $0x0  }
0xa8: {  	s5 =	sshll.u32 s28, $0x1;
	[dreg:$0x2] =	wrdreg s3  }
0xa9: {  	[dreg:$0x3] =	wrdreg s5  }
0xaa: {  	[dreg:$0x4] =	wrdreg $0xC0  }
0xab: {  	_ =	task [dreg:s7], $0x5FFFF  }
0xac: {  	[dreg:$0x1] =	wrdreg $0xFFFFFFFF  }
0xad: {  	[dreg:$0x0] =	wrdreg $0x60  }
0xae: {  	[dreg:$0x2] =	wrdreg s24  }
0xaf: {  	[dreg:$0x3] =	wrdreg s2  }
0xb0: {  	[dreg:$0x4] =	wrdreg $0x9  }
0xb1: {  	_ =	task.clear_ibuf [dreg:s7], $0x5FFFF;
	_ =	strace $0x90000046  }
0xb2: {  	s29 =	simm.s32 $0x9;
	_ =	strace $0x80000048  }
0xb3: {  	_ =	swait.ge [sflag:s29], $0x1  }
0xb4: {  	[sflag:s29] =	ssyncadd.s32 $0xFFFFFFFF  }
0xb5: {  	_ =	strace $0x90000048  }
0xb6: {  	_ =	sfence  }
0xb7: {  	s30 =	sld [smem:$0x0];
	_ =	sdelay $0x2  }
0xb8: {  	s31 =	sshll.u32 s1, $0xD;
	s1 =	sshrl.u32 s1, $0x2  }
0xb9: {  	s3 =	sand.u32 $0x4000, s31;
	s1 =	sadd.s32 s1, s30  }
0xba: {  	s0 =	sor.u32 s3, s0;
	s1 =	sshll.u32 s1, $0x11  }
0xbb: {  	s0 =	sor.u32 s1, s0  }
0xbc: {  	s0 =	sadd.s32 $0x8F2B, s0  }
0xbd: {  	[sflag:s0] =	ssyncadd.remote.s32 $0x1  }
0xbe: {  	_ =	sfence.sel $0xFFFF  }
0xbf: {  	[dreg:$0x0] =	wrdreg $0xFFFFFFFF;
	(pc) =	sbr.abs _section_cstart, $3  }
0xc0: {  	[dreg:$0x1] =	wrdreg $0xFFFFFFFF  }
0xc1: {  	_ =	task.clear_ibuf [dreg:s7], $0x2FFFF;
	_ =	strace $0x9FFFFFFF  }
0xc2: {  	(tm) =	ssettm $0x7FFFFFFF  }
0xc3: {  	_ =	shalt  }
tec
execute0_lowered:
.L_overlay_start_1:
0x0: {  	(tag) =	ssettag $0x1  }
0x1: {  	s0 =	srdreg.scid;
	s1 =	rddreg [dreg:$0x0]  }
0x2: {  	s3 =	stileid.u32;
	s2 =	rddreg [dreg:$0x1];
	s8 =	simm.s32 $0x80  }
0x3: {  	s9 =	simm.s32 $0x1000;
	s10 =	simm.s32 $0x1;
	s11 =	simm.s32 $0x1B00  }
0x4: {  	s12 =	simm.s32 $0x2;
	s13 =	simm.s32 $0x1800;
	s14 =	simm.s32 $0x16B00  }
0x5: {  	s15 =	simm.s32 $0x1880;
	s16 =	simm.s32 $0x17B00;
	s17 =	simm.s32 $0x1900  }
0x6: {  	s18 =	simm.s32 $0x18B00;
	s19 =	simm.s32 $0x1980;
	s20 =	simm.s32 $0x19B00  }
0x7: {  	s21 =	simm.s32 $0x1A00;
	s22 =	simm.s32 $0x1AB00;
	s23 =	simm.s32 $0x1A80  }
0x8: {  	s24 =	simm.s32 $0x1BB00;
	s25 =	simm.s32 $0x3;
	s0 =	sand.u32 $0x1, s0  }
0x9: {  	s26 =	simm.s32 $0x0;
	s4 =	sshll.u32 s3, $0x8;
	s5 =	sshll.u32 s0, $0x7  }
0xa: {  	s3 =	simm.s32 $0x0;
	s0 =	ssub.s32 $0x2, s0;
	s4 =	sor.u32 s5, s4  }
0xb: {  	[smem:$0x7FF] =	sst s3;
	s6 =	sshrl.u32 s0, $0x1;
	s5 =	sshrl.u32 s4, $0x3  }
0xc: {  	v0 =	vlaneseq.u32;
	_ =	strace $0x80000047;
	s0 =	ssub.s32 s0, s6;
	s5 =	sadd.s32 s5, s1  }
0xd: {  	v0 =	vmul.u32 $0x1B, v0;
	s1 =	sadd.s32 $0x27ACA00, s1;
	s7 =	smax.u32 s0, $0x1;
	s6 =	sadd.s32 $0x600, s5  }
.LBB2_1:
0xe: {  	[tilespmem:s3], [sflag:$0x1] =	stream.strided.gather [hbm4b:s6+s8], $0xD80, s9, s8, $0x38;
	[tilespmem:$0x1CB00] =	vst v63  }
0xf: {  	s30 =	simm.s32 $0xD80;
	s29 =	simm.s32 $0x0  }
.LBB2_2:
0x10: {  	s0 =	simm.s32 $0x0  }
0x11: {  	s0 =	sor.u32 s4, s0  }
0x12: {  	v1 =	vmov s0  }
0x13: {  	s5 =	simm.s32 $0x10;
	v2 =	vmul.u32 $0x1B, v1  }
0x14: {  	s0 =	sor.u32 s4, s5;
	v1 =	vmov s29  }
0x15: {  	v3 =	vmov s0;
	v2 =	vadd.s32 v1, v2  }
0x16: {  	v3 =	vmul.u32 $0x1B, v3;
	v2 =	vbroadcast v2, $0x0;
	_ =	sdelay $0x1  }
0x17: {  	v3 =	vadd.s32 v1, v3;
	v2 =	vadd.s32 v0, v2  }
0x18: {  	s31 =	simm.s32 $0x20;
	s28 =	smov.u32 s30;
	[tilespmem:s30+$0x0] =	vst v2;
	v2 =	vbroadcast v3, $0x0  }
.LBB2_3:
0x19: {  	s0 =	sor.u32 s4, s31;
	p0 =	sne.s32 s31, $0x70;
	s31 =	sadd.s32 $0x10, s31  }
.Ltmp0:
0x1a: {  	s28 =	sadd.s32 $0x10, s28;
	v3 =	vmov s0;
	v2 =	vadd.s32 v0, v2;
	(pc) =	sbr.rel @p0 .LBB2_3-.Ltmp0, $3  }
0x1b: {  	v3 =	vmul.u32 $0x1B, v3;
	[tilespmem:s28+$0x0] =	vst v2;
	_ =	sdelay $0x1  }
0x1c: {  	v2 =	vadd.s32 v1, v3  }
0x1d: {  	v2 =	vbroadcast v2, $0x0  }
0x1e: {  	s29 =	sadd.s32 $0x1, s29  }
0x1f: {  	p0 =	sne.s32 s29, $0x1B  }
.Ltmp1:
0x20: {  	_ = 	snop;
	(pc) =	sbr.rel @p0 .LBB2_2-.Ltmp1, $3  }
0x21: {  	_ =	sdelay $0x1  }
0x22: {  	s0 =	sadd.s32 $0x10, s28;
	v1 =	vadd.s32 v0, v2  }
0x23: {  	s30 =	sadd.s32 $0x80, s30;
	[tilespmem:s0+$0x0] =	vst v1  }
0x24: {  	_ =	swait.ge [sflag:s10], $0xD80;
	s29 =	simm.s32 $0x2B00;
	s28 =	simm.s32 $0x400  }
0x25: {  	s0 =	simm.s32 $0x80;
	s30 =	sadd.s32 $0x61A80, s1;
	[sflag:s10] =	ssyncset.done $0x0  }
0x26: {  	s31 =	simm.s32 $0x3B00;
	s5 =	smov.u32 s1;
	[sflag:s10] =	ssyncadd.s32 $0xFFFFF280  }
0x27: {  	[tilespmem:s11], [sflag:$0x2] =	stream.indirect.gather [hbm4b:s1+s8], $0x20, s3, s8, $0xb8;
	[tilespmem:$0x1CB00] =	vst v63  }
.LBB2_6:
0x28: {  	[tilespmem:s29], [sflag:$0x2] =	stream.indirect.gather [hbm4b:s5+s8], $0x20, s0, s8, $0xb8;
	[tilespmem:$0x1CB00] =	vst v63  }
0x29: {  	s0 =	smov.u32 s28  }
0x2a: {  	s5 =	smov.u32 s30;
	s29 =	smov.u32 s31;
	p0 =	sne.s32 s28, $0x3400  }
.Ltmp2:
0x2b: {  	s28 =	sadd.s32 $0x200, s28;
	(pc) =	sbr.rel @p0 .LBB2_6-.Ltmp2, $2  }
0x2c: {  	_ =	sdelay $0x2  }
0x2d: {  	s30 =	sadd.s32 $0x61A80, s30;
	s31 =	sadd.s32 $0x1000, s31;
	s0 =	sshra.s32 s0, $0x2  }
0x2e: {  	[tilespmem:s29], [sflag:$0x2] =	stream.indirect.gather [hbm4b:s5+s8], $0x20, s0, s8, $0xb8;
	[tilespmem:$0x1CB00] =	vst v63  }
0x2f: {  	_ =	swait.ge [sflag:s12], $0x1B000  }
0x30: {  	[sflag:s12] =	ssyncset.done $0x0  }
0x31: {  	s29 =	simm.s32 $0xD80;
	[sflag:s12] =	ssyncadd.s32 $0xFFFE5000  }
0x32: {  	[hbm4b:s2+s8] =	stream.indirect.scatter [tilespmem:s11], [sflag:$0x3], $0x20, s29, s8, $0xb8;
	[tilespmem:$0x1CB00] =	vst v63  }
0x33: {  	s30 =	simm.s32 $0xE00;
	s31 =	simm.s32 $0x2B00  }
0x34: {  	[hbm4b:s2+s8] =	stream.indirect.scatter [tilespmem:s31], [sflag:$0x3], $0x20, s30, s8, $0xb8;
	[tilespmem:$0x1CB00] =	vst v63  }
0x35: {  	s28 =	simm.s32 $0xE80;
	s29 =	simm.s32 $0x3B00  }
0x36: {  	[hbm4b:s2+s8] =	stream.indirect.scatter [tilespmem:s29], [sflag:$0x3], $0x20, s28, s8, $0xb8;
	[tilespmem:$0x1CB00] =	vst v63  }
0x37: {  	s30 =	simm.s32 $0xF00;
	s31 =	simm.s32 $0x4B00  }
0x38: {  	[hbm4b:s2+s8] =	stream.indirect.scatter [tilespmem:s31], [sflag:$0x3], $0x20, s30, s8, $0xb8;
	[tilespmem:$0x1CB00] =	vst v63  }
0x39: {  	s5 =	simm.s32 $0xF80;
	s28 =	simm.s32 $0x5B00  }
0x3a: {  	[hbm4b:s2+s8] =	stream.indirect.scatter [tilespmem:s28], [sflag:$0x3], $0x20, s5, s8, $0xb8;
	[tilespmem:$0x1CB00] =	vst v63  }
0x3b: {  	s29 =	simm.s32 $0x6B00  }
0x3c: {  	[hbm4b:s2+s8] =	stream.indirect.scatter [tilespmem:s29], [sflag:$0x3], $0x20, s9, s8, $0xb8;
	[tilespmem:$0x1CB00] =	vst v63  }
0x3d: {  	s30 =	simm.s32 $0x1080;
	s31 =	simm.s32 $0x7B00  }
0x3e: {  	[hbm4b:s2+s8] =	stream.indirect.scatter [tilespmem:s31], [sflag:$0x3], $0x20, s30, s8, $0xb8;
	[tilespmem:$0x1CB00] =	vst v63  }
0x3f: {  	s28 =	simm.s32 $0x1100;
	s29 =	simm.s32 $0x8B00  }
0x40: {  	[hbm4b:s2+s8] =	stream.indirect.scatter [tilespmem:s29], [sflag:$0x3], $0x20, s28, s8, $0xb8;
	[tilespmem:$0x1CB00] =	vst v63  }
0x41: {  	s30 =	simm.s32 $0x1180;
	s31 =	simm.s32 $0x9B00  }
0x42: {  	[hbm4b:s2+s8] =	stream.indirect.scatter [tilespmem:s31], [sflag:$0x3], $0x20, s30, s8, $0xb8;
	[tilespmem:$0x1CB00] =	vst v63  }
0x43: {  	s28 =	simm.s32 $0x1200;
	s29 =	simm.s32 $0xAB00  }
0x44: {  	[hbm4b:s2+s8] =	stream.indirect.scatter [tilespmem:s29], [sflag:$0x3], $0x20, s28, s8, $0xb8;
	[tilespmem:$0x1CB00] =	vst v63  }
0x45: {  	s30 =	simm.s32 $0x1280;
	s31 =	simm.s32 $0xBB00  }
0x46: {  	[hbm4b:s2+s8] =	stream.indirect.scatter [tilespmem:s31], [sflag:$0x3], $0x20, s30, s8, $0xb8;
	[tilespmem:$0x1CB00] =	vst v63  }
0x47: {  	s28 =	simm.s32 $0x1300;
	s29 =	simm.s32 $0xCB00  }
0x48: {  	[hbm4b:s2+s8] =	stream.indirect.scatter [tilespmem:s29], [sflag:$0x3], $0x20, s28, s8, $0xb8;
	[tilespmem:$0x1CB00] =	vst v63  }
0x49: {  	s30 =	simm.s32 $0x1380;
	s31 =	simm.s32 $0xDB00  }
0x4a: {  	[hbm4b:s2+s8] =	stream.indirect.scatter [tilespmem:s31], [sflag:$0x3], $0x20, s30, s8, $0xb8;
	[tilespmem:$0x1CB00] =	vst v63  }
0x4b: {  	s28 =	simm.s32 $0x1400;
	s29 =	simm.s32 $0xEB00  }
0x4c: {  	[hbm4b:s2+s8] =	stream.indirect.scatter [tilespmem:s29], [sflag:$0x3], $0x20, s28, s8, $0xb8;
	[tilespmem:$0x1CB00] =	vst v63  }
0x4d: {  	s30 =	simm.s32 $0x1480;
	s31 =	simm.s32 $0xFB00  }
0x4e: {  	[hbm4b:s2+s8] =	stream.indirect.scatter [tilespmem:s31], [sflag:$0x3], $0x20, s30, s8, $0xb8;
	[tilespmem:$0x1CB00] =	vst v63  }
0x4f: {  	s28 =	simm.s32 $0x1500;
	s29 =	simm.s32 $0x10B00  }
0x50: {  	[hbm4b:s2+s8] =	stream.indirect.scatter [tilespmem:s29], [sflag:$0x3], $0x20, s28, s8, $0xb8;
	[tilespmem:$0x1CB00] =	vst v63  }
0x51: {  	s30 =	simm.s32 $0x1580;
	s31 =	simm.s32 $0x11B00  }
0x52: {  	[hbm4b:s2+s8] =	stream.indirect.scatter [tilespmem:s31], [sflag:$0x3], $0x20, s30, s8, $0xb8;
	[tilespmem:$0x1CB00] =	vst v63  }
0x53: {  	s28 =	simm.s32 $0x1600;
	s29 =	simm.s32 $0x12B00  }
0x54: {  	[hbm4b:s2+s8] =	stream.indirect.scatter [tilespmem:s29], [sflag:$0x3], $0x20, s28, s8, $0xb8;
	[tilespmem:$0x1CB00] =	vst v63  }
0x55: {  	s30 =	simm.s32 $0x1680;
	s31 =	simm.s32 $0x13B00  }
0x56: {  	[hbm4b:s2+s8] =	stream.indirect.scatter [tilespmem:s31], [sflag:$0x3], $0x20, s30, s8, $0xb8;
	[tilespmem:$0x1CB00] =	vst v63  }
0x57: {  	s28 =	simm.s32 $0x1700;
	s29 =	simm.s32 $0x14B00  }
0x58: {  	[hbm4b:s2+s8] =	stream.indirect.scatter [tilespmem:s29], [sflag:$0x3], $0x20, s28, s8, $0xb8;
	[tilespmem:$0x1CB00] =	vst v63  }
0x59: {  	s30 =	simm.s32 $0x1780;
	s31 =	simm.s32 $0x15B00  }
0x5a: {  	[hbm4b:s2+s8] =	stream.indirect.scatter [tilespmem:s31], [sflag:$0x3], $0x20, s30, s8, $0xb8;
	[tilespmem:$0x1CB00] =	vst v63  }
0x5b: {  	_ = 	snop  }
0x5c: {  	[hbm4b:s2+s8] =	stream.indirect.scatter [tilespmem:s14], [sflag:$0x3], $0x20, s13, s8, $0xb8;
	[tilespmem:$0x1CB00] =	vst v63  }
0x5d: {  	_ = 	snop  }
0x5e: {  	[hbm4b:s2+s8] =	stream.indirect.scatter [tilespmem:s16], [sflag:$0x3], $0x20, s15, s8, $0xb8;
	[tilespmem:$0x1CB00] =	vst v63  }
0x5f: {  	_ = 	snop  }
0x60: {  	[hbm4b:s2+s8] =	stream.indirect.scatter [tilespmem:s18], [sflag:$0x3], $0x20, s17, s8, $0xb8;
	[tilespmem:$0x1CB00] =	vst v63  }
0x61: {  	s26 =	sadd.s32 $0x1, s26  }
0x62: {  	[hbm4b:s2+s8] =	stream.indirect.scatter [tilespmem:s20], [sflag:$0x3], $0x20, s19, s8, $0xb8;
	[tilespmem:$0x1CB00] =	vst v63  }
0x63: {  	p0 =	sne.s32 s26, s7  }
0x64: {  	[hbm4b:s2+s8] =	stream.indirect.scatter [tilespmem:s22], [sflag:$0x3], $0x20, s21, s8, $0xb8;
	[tilespmem:$0x1CB00] =	vst v63  }
.Ltmp3:
0x65: {  	_ = 	snop;
	(pc) =	sbr.rel @p0 .LBB2_1-.Ltmp3, $4  }
0x66: {  	[hbm4b:s2+s8] =	stream.indirect.scatter [tilespmem:s24], [sflag:$0x3], $0x20, s23, s8, $0xb8;
	[tilespmem:$0x1CB00] =	vst v63  }
0x67: {  	_ =	swait.ge [sflag:s25], $0x1B000  }
0x68: {  	[sflag:s25] =	ssyncset.done $0x0  }
0x69: {  	[sflag:s25] =	ssyncadd.s32 $0xFFFE5000  }
0x6a: {  	_ =	sfence.sel $0x180000  }
0x6b: {  	[bflag:$0x0] =	sbarrier.arrive $0xFFFF  }
0x6c: {  	_ =	strace $0x90000047  }
0x6d: {  	s0 =	stileid.u32;
	[bflag:$0x2] =	sbarrier.arrive $0xFFFF  }
0x6e: {  	p0 =	sne.s32 s0, $0x0;
	s0 =	rddreg [dreg:$0x2]  }
0x6f: {  	s0 =	sadd.s32 @!p0 $0x100000, s0  }
0x70: {  	[sflag:s0] =	ssyncadd.tile.s32 @!p0 $0x1;
	_ =	shalt  }
.Lfunc_end2:
_tile_overlayer_lowered:
.L_overlay_start_2:
0x71: {  	(tag) =	ssettag $0x2  }
0x72: {  	s0 =	rddreg [dreg:$0x0];
	s2 =	stileid.u32  }
0x73: {  	s1 =	rddreg [dreg:$0x1];
	p0 =	sne.s32 s2, $0x0  }
0x74: {  	s3 =	rddreg [dreg:$0x2];
	[bflag:$0x3] =	sbarrier.arrive $0xFFFF;
	s2 =	simm.s32 @!p0 $0x1C04  }
0x75: {  	[timem:s3], [sflag:s2] =	dma.local @!p0 [hbm:s0], s1  }
0x76: {  	s0 =	simm.s32 @!p0 $0x4  }
0x77: {  	_ =	swait.ge @!p0 [sflag:s0], s1  }
0x78: {  	s1 =	ssub.s32 @!p0 $0x0, s1;
	[sflag:s0] =	ssyncset.done @!p0 $0x0  }
0x79: {  	[sflag:s0] =	ssyncadd.s32 @!p0 s1  }
0x7a: {  	[bflag:$0x3] =	sbarrier.arrive $0xFFFF  }
0x7b: {  	_ =	shalt  }

</sc_bundles>
